<compile_context>
chip_gen: v7x
topology: tpu7x:2x2x1
jax: 0.10.2.dev20260603
libtpu: 0.0.44.dev20260713+nightly
codegen_flags: <defaults>
</compile_context>

<pallas_src>
import functools

import jax
import jax.numpy as jnp
from jax import lax
from jax.experimental import pallas as pl
from jax.experimental.pallas import tpu as pltpu

_NUM_CLASSES = 21
_THRESHOLD = 0.5
_NEG_POS_RATIO = 3
_VAR0 = 0.1
_VAR1 = 0.2
_NCHUNK = 1
_SUB = 8


def _body(cw_ref, tg_ref, loc_ref, conf_ref, mn_ref,
          out_loc_ref, out_conf_ref,
          bto_s, bti_s, er_s, pmx_s, pix_s, bpi_s, accf, acci,
          *, B, P, M, LAN):
    b = pl.program_id(0)
    c2 = pl.program_id(1)
    CHUNK = _SUB * LAN

    @pl.when(jnp.logical_and(b == 0, c2 == 0))
    def _init():
        accf[0] = 0.0
        accf[1] = 0.0
        acci[1] = 0

    def prior_idx3(c):
        s_io = lax.broadcasted_iota(jnp.int32, (M, _SUB, LAN), 1)
        l_io = lax.broadcasted_iota(jnp.int32, (M, _SUB, LAN), 2)
        return c * CHUNK + s_io * LAN + l_io

    @pl.when(c2 < _NCHUNK)
    def _phase1():
        c = c2
        cen = cw_ref[0, pl.ds(c * _SUB, _SUB), :]
        wid = cw_ref[1, pl.ds(c * _SUB, _SUB), :]
        pf_lo = cen - wid * 0.5
        pf_hi = cen + wid * 0.5
        ts = tg_ref[0, 0, :]
        te = tg_ref[0, 1, :]
        ts3 = ts[:, None, None]
        te3 = te[:, None, None]
        lo = jnp.maximum(ts3, pf_lo[None])
        hi = jnp.minimum(te3, pf_hi[None])
        inter = jnp.maximum(hi - lo, 0.0)
        union = (te3 - ts3) + (pf_hi - pf_lo)[None] - inter
        ov = inter / union

        miota = lax.broadcasted_iota(jnp.int32, (M, _SUB, LAN), 0)

        bto_c = jnp.max(ov, axis=0)
        bti_c = jnp.min(jnp.where(ov == bto_c[None], miota, M), axis=0)
        bto_s[pl.ds(c * _SUB, _SUB), :] = bto_c
        bti_s[pl.ds(c * _SUB, _SUB), :] = bti_c

        cm = jnp.max(ov, axis=(1, 2))
        pidx = prior_idx3(c)
        cil = jnp.min(jnp.where(ov == cm[:, None, None], pidx, P),
                      axis=(1, 2))
        pmx_s[pl.ds(c, 1), :] = cm.reshape(1, M)
        pix_s[pl.ds(c, 1), :] = cil.reshape(1, M)

        @pl.when(c == _NCHUNK - 1)
        def _merge():
            vals = pmx_s[:, :]
            idxs = pix_s[:, :]
            gmax = jnp.max(vals, axis=0)
            ciota = lax.broadcasted_iota(jnp.int32, (_NCHUNK, M), 0)
            cfirst = jnp.min(
                jnp.where(vals == gmax[None, :], ciota, _NCHUNK), axis=0)
            bpi = jnp.zeros((M,), jnp.int32)
            for cc in range(_NCHUNK):
                bpi = jnp.where(cfirst == cc, idxs[cc, :], bpi)
            bpi_s[0, :] = bpi

    @pl.when(c2 >= _NCHUNK)
    def _phase2():
        c = c2 - _NCHUNK

        @pl.when(c == 0)
        def _reset_row():
            accf[2] = 0.0
            acci[0] = 0

        cen = cw_ref[0, pl.ds(c * _SUB, _SUB), :]
        wid = cw_ref[1, pl.ds(c * _SUB, _SUB), :]
        ts = tg_ref[0, 0, :]
        te = tg_ref[0, 1, :]
        lab = tg_ref[0, 2, :]

        bto_c = bto_s[pl.ds(c * _SUB, _SUB), :]
        bti_c = bti_s[pl.ds(c * _SUB, _SUB), :]

        bpi = bpi_s[0, :]
        pidx = prior_idx3(c)
        mhit = bpi[:, None, None] == pidx
        miota = lax.broadcasted_iota(jnp.int32, (M, _SUB, LAN), 0)
        m_last = jnp.max(jnp.where(mhit, miota, -1), axis=0)
        hit = m_last >= 0
        bto_c = jnp.where(hit, 2.0, bto_c)
        bti_c = jnp.where(hit, m_last, bti_c)

        msel = bti_c[None] == miota
        ms = jnp.sum(jnp.where(msel, ts[:, None, None], 0.0), axis=0)
        me = jnp.sum(jnp.where(msel, te[:, None, None], 0.0), axis=0)
        ml = jnp.sum(jnp.where(msel, lab[:, None, None], 0.0), axis=0)

        conf_c = jnp.where(bto_c < _THRESHOLD, 0.0, ml + 1.0)
        pos_c = conf_c > 0.0
        acci[0] += jnp.sum(pos_c.astype(jnp.int32))

        g_c = ((ms + me) * 0.5 - cen) / (_VAR0 * wid)
        g_w = jnp.log((me - ms) / wid) / _VAR1
        d0 = loc_ref[0, 0] - g_c
        d1 = loc_ref[0, 1] - g_w
        sl = (jnp.where(jnp.abs(d0) < 1.0, 0.5 * d0 * d0, jnp.abs(d0) - 0.5)
              + jnp.where(jnp.abs(d1) < 1.0, 0.5 * d1 * d1, jnp.abs(d1) - 0.5))
        accf[0] += jnp.sum(jnp.where(pos_c, sl, 0.0))

        cd = conf_ref[0]
        xmax = jnp.max(cd, axis=0)
        se = jnp.sum(jnp.exp(cd - xmax[None]), axis=0)
        liota = lax.broadcasted_iota(jnp.int32, (_NUM_CLASSES, _SUB, LAN), 0)
        ci = conf_c.astype(jnp.int32)
        gathered = jnp.sum(jnp.where(liota == ci[None], cd, 0.0), axis=0)
        e_c = jnp.log(se) + xmax - gathered
        accf[2] += jnp.sum(jnp.where(pos_c, e_c, 0.0))
        er_s[pl.ds(c * _SUB, _SUB), :] = jnp.where(pos_c, 0.0, e_c)

        @pl.when(c == _NCHUNK - 1)
        def _select():
            np_b = acci[0]
            k = jnp.clip(np_b * _NEG_POS_RATIO, mn_ref[0], P - 1)
            ev = er_s[:, :]
            bits = lax.bitcast_convert_type(ev, jnp.int32)

            def rs_body(i, T):
                cand = T | (jnp.int32(1) << (30 - i))
                cnt = jnp.sum((bits >= cand).astype(jnp.int32))
                return jnp.where(cnt >= k, cand, T)

            T = lax.fori_loop(0, 31, rs_body, jnp.int32(0))
            v = jnp.max(jnp.where(bits == T, ev, -jnp.inf))
            gt = bits > T
            cnt_gt = jnp.sum(gt.astype(jnp.int32))
            sum_gt = jnp.sum(jnp.where(gt, ev, 0.0))
            neg_sum = sum_gt + (k - cnt_gt).astype(jnp.float32) * v
            accf[1] += accf[2] + neg_sum
            acci[1] += np_b

            @pl.when(b == B - 1)
            def _finish():
                n = acci[1].astype(jnp.float32)
                out_loc_ref[:, :] = jnp.full((1, 1), accf[0] / n, jnp.float32)
                out_conf_ref[:, :] = jnp.full((1, 1), accf[1] / n, jnp.float32)


@functools.partial(jax.jit, static_argnames=())
def kernel(loc_data, conf_data, priors, targets, min_neg):
    B, P, _ = loc_data.shape
    M = targets.shape[1]
    C = conf_data.shape[2]
    LAN = P // (_NCHUNK * _SUB)
    ROWS = P // LAN
    cw = priors.T.reshape(2, ROWS, LAN)
    tg = jnp.transpose(targets, (0, 2, 1))
    loc_t = jnp.transpose(loc_data, (0, 2, 1)).reshape(B, 2, ROWS, LAN)
    conf_t = jnp.transpose(conf_data, (0, 2, 1)).reshape(B, C, ROWS, LAN)
    mn = jnp.reshape(jnp.asarray(min_neg, jnp.int32), (1,))

    grid = (B, 2 * _NCHUNK)
    out_loc, out_conf = pl.pallas_call(
        functools.partial(_body, B=B, P=P, M=M, LAN=LAN),
        grid=grid,
        in_specs=[
            pl.BlockSpec((2, ROWS, LAN), lambda b, c: (0, 0, 0)),
            pl.BlockSpec((1, 3, M), lambda b, c: (b, 0, 0)),
            pl.BlockSpec((1, 2, _SUB, LAN),
                         lambda b, c: (b, 0, jnp.maximum(c - _NCHUNK, 0), 0)),
            pl.BlockSpec((1, _NUM_CLASSES, _SUB, LAN),
                         lambda b, c: (b, 0, jnp.maximum(c - _NCHUNK, 0), 0)),
            pl.BlockSpec(memory_space=pltpu.SMEM),
        ],
        out_specs=[
            pl.BlockSpec((1, 1), lambda b, c: (0, 0)),
            pl.BlockSpec((1, 1), lambda b, c: (0, 0)),
        ],
        out_shape=[
            jax.ShapeDtypeStruct((1, 1), jnp.float32),
            jax.ShapeDtypeStruct((1, 1), jnp.float32),
        ],
        scratch_shapes=[
            pltpu.VMEM((ROWS, LAN), jnp.float32),
            pltpu.VMEM((ROWS, LAN), jnp.int32),
            pltpu.VMEM((ROWS, LAN), jnp.float32),
            pltpu.VMEM((_NCHUNK, M), jnp.float32),
            pltpu.VMEM((_NCHUNK, M), jnp.int32),
            pltpu.VMEM((1, M), jnp.int32),
            pltpu.SMEM((4,), jnp.float32),
            pltpu.SMEM((2,), jnp.int32),
        ],
    )(cw, tg, loc_t, conf_t, mn)
    return (out_loc.reshape(()), out_conf.reshape(()))

# --- scband reference (transcript-rebuilt; emitter-appended) ---
"""Pipeline reference for scband-multi-box-lossv2-69509750719011 (READ-ONLY COPY).

The authoritative reference and input builder live on the scoring server;
editing this copy changes nothing except your own understanding.
"""

import jax, jax.numpy as jnp
import numpy as np

NUM_CLASSES = 21
THRESHOLD = 0.5
NEG_POS_RATIO = 3
VARIANCE = (0.1, 0.2)
B, P, M = 32, 32768, 16


def setup_inputs(seed: int = 0):
    key = jax.random.key(seed)
    k1, k2, k3, k4, k5, k6, k7 = jax.random.split(key, 7)
    loc_data = jax.random.normal(k1, (B, P, 2), dtype=jnp.float32)
    conf_data = jax.random.normal(k2, (B, P, NUM_CLASSES), dtype=jnp.float32)
    centers = jax.random.uniform(k3, (P,), dtype=jnp.float32)
    widths = jax.random.uniform(k4, (P,), dtype=jnp.float32) * 0.1 + 0.01
    priors = jnp.stack([centers, widths], axis=1)
    starts = jax.random.uniform(k5, (B, M), dtype=jnp.float32) * 0.8
    lens = jax.random.uniform(k6, (B, M), dtype=jnp.float32) * 0.15 + 0.02
    ends = jnp.clip(starts + lens, 0.0, 1.0)
    labels = jax.random.randint(k7, (B, M), 0, NUM_CLASSES - 1).astype(jnp.float32)
    targets = jnp.stack([starts, ends, labels], axis=-1)
    return {"loc_data": loc_data, "conf_data": conf_data, "priors": priors,
            "targets": targets, "min_neg": 10}


def point_form(priors):
    return jnp.stack([priors[:, 0] - priors[:, 1] / 2.0,
                      priors[:, 0] + priors[:, 1] / 2.0], axis=1)


def jaccard_1d(truths, priors_pf):
    lo = jnp.maximum(truths[:, None, 0], priors_pf[None, :, 0])
    hi = jnp.minimum(truths[:, None, 1], priors_pf[None, :, 1])
    inter = jnp.clip(hi - lo, 0.0)
    area_a = (truths[:, 1] - truths[:, 0])[:, None]
    area_b = (priors_pf[:, 1] - priors_pf[:, 0])[None, :]
    return inter / (area_a + area_b - inter)


def encode_1d(matched, priors):
    g_c = ((matched[:, 0] + matched[:, 1]) / 2.0 - priors[:, 0]) / (VARIANCE[0] * priors[:, 1])
    g_w = jnp.log((matched[:, 1] - matched[:, 0]) / priors[:, 1]) / VARIANCE[1]
    return jnp.stack([g_c, g_w], axis=1)


def match_one(truths, labels, priors):
    overlaps = jaccard_1d(truths, point_form(priors))  # [M, P]
    best_prior_idx = jnp.argmax(overlaps, axis=1)      # [M]
    best_truth_overlap = jnp.max(overlaps, axis=0)     # [P]
    best_truth_idx = jnp.argmax(overlaps, axis=0)      # [P]
    best_truth_overlap = best_truth_overlap.at[best_prior_idx].set(2.0)
    best_truth_idx = best_truth_idx.at[best_prior_idx].set(jnp.arange(truths.shape[0]))
    matches = jnp.take(truths, best_truth_idx, axis=0)
    conf = jnp.take(labels, best_truth_idx, axis=0) + 1.0
    conf = jnp.where(best_truth_overlap < THRESHOLD, 0.0, conf)
    loc = encode_1d(matches, priors)
    return loc, conf


def log_sum_exp(x):
    x_max = jnp.max(x)
    return jnp.log(jnp.sum(jnp.exp(x - x_max), axis=1, keepdims=True)) + x_max


def reference(loc_data, conf_data, priors, targets, min_neg):
    batch_size = loc_data.shape[0]
    num_priors = loc_data.shape[1]
    priors = priors[:num_priors, :]
    loc_t, conf_t = jax.vmap(lambda t: match_one(t[:, :2], t[:, 2], priors))(targets)
    pos = conf_t > 0  # [B, P]
    diff = loc_data - loc_t
    ad = jnp.abs(diff)
    sl1 = jnp.where(ad < 1.0, 0.5 * diff * diff, ad - 0.5)
    loss_loc = jnp.sum(jnp.where(pos[..., None], sl1, 0.0))
    batch_conf = conf_data.reshape(-1, NUM_CLASSES)
    conf_t_flat = conf_t.reshape(-1).astype(jnp.int32)
    gathered = jnp.take_along_axis(batch_conf, conf_t_flat[:, None], axis=1)
    loss_c = log_sum_exp(batch_conf) - gathered
    loss_c = loss_c.reshape(batch_size, -1)
    loss_c = jnp.where(pos, 0.0, loss_c)
    loss_idx = jnp.argsort(-loss_c, axis=1)
    idx_rank = jnp.argsort(loss_idx, axis=1)
    num_pos = jnp.sum(pos.astype(jnp.int32), axis=1, keepdims=True)
    num_neg = jnp.clip(num_pos * NEG_POS_RATIO, min_neg, num_priors - 1)
    neg = idx_rank < num_neg
    sel = jnp.logical_or(pos, neg).reshape(-1)
    logp = jax.nn.log_softmax(batch_conf, axis=-1)
    ce = -jnp.take_along_axis(logp, conf_t_flat[:, None], axis=1)[:, 0]
    loss_conf = jnp.sum(jnp.where(sel, ce, 0.0))
    N = jnp.sum(num_pos).astype(jnp.float32)
    return (loss_loc / N, loss_conf / N)

if __name__ == "__main__":
    import jax
    _d = setup_inputs()
    print(jax.jit(kernel)(*tuple(_d.values())))

</pallas_src>

<mosaic_0001>
module attributes {stable_mosaic.version = 14 : i64} {
  func.func @_body(%arg0: i32, %arg1: i32, %arg2: memref<2x8x4096xf32, #tpu.memory_space<vmem>>, %arg3: memref<1x3x16xf32, #tpu.memory_space<vmem>>, %arg4: memref<1x2x8x4096xf32, #tpu.memory_space<vmem>>, %arg5: memref<1x21x8x4096xf32, #tpu.memory_space<vmem>>, %arg6: memref<1xi32, #tpu.memory_space<smem>>, %arg7: memref<1x1xf32, #tpu.memory_space<vmem>>, %arg8: memref<1x1xf32, #tpu.memory_space<vmem>>, %arg9: memref<8x4096xf32, #tpu.memory_space<vmem>>, %arg10: memref<8x4096xi32, #tpu.memory_space<vmem>>, %arg11: memref<8x4096xf32, #tpu.memory_space<vmem>>, %arg12: memref<1x16xf32, #tpu.memory_space<vmem>>, %arg13: memref<1x16xi32, #tpu.memory_space<vmem>>, %arg14: memref<1x16xi32, #tpu.memory_space<vmem>>, %arg15: memref<4xf32, #tpu.memory_space<smem>>, %arg16: memref<2xi32, #tpu.memory_space<smem>>) attributes {dimension_semantics = [#tpu.dimension_semantics<arbitrary>, #tpu.dimension_semantics<arbitrary>], iteration_bounds = array<i64: 32, 2>, scalar_prefetch = 0 : i64, scratch_operands = 8 : i64, tpu.core_type = #tpu.core_type<tc>, window_params = [{pipeline_mode = #tpu.pipeline_mode<synchronous>, transform_indices = @transform_0, window_bounds = array<i64: 2, 8, 4096>}, {transform_indices = @transform_1, window_bounds = array<i64: 1, 3, 16>}, {transform_indices = @transform_2, window_bounds = array<i64: 1, 2, 8, 4096>}, {transform_indices = @transform_3, window_bounds = array<i64: 1, 21, 8, 4096>}, {transform_indices = @transform_4, window_bounds = array<i64: 1>}, {pipeline_mode = #tpu.pipeline_mode<synchronous>, transform_indices = @transform_5, window_bounds = array<i64: 1, 1>}, {pipeline_mode = #tpu.pipeline_mode<synchronous>, transform_indices = @transform_6, window_bounds = array<i64: 1, 1>}]} {
    %eq3A = arith.constant 0 : i32
    %eq3A_0 = arith.cmpi eq, %arg0, %eq3A : i32
    %eq3A_1 = arith.constant 0 : i32
    %eq3A_2 = arith.cmpi eq, %arg1, %eq3A_1 : i32
    %and3A = arith.andi %eq3A_0, %eq3A_2 : i1
    %convert_element_type3A = arith.extui %and3A : i1 to i32
    %cond3A = arith.constant 0 : i32
    %cond3A_3 = arith.cmpi ne, %convert_element_type3A, %cond3A : i32
    scf.if %cond3A_3 {
      %swap3A = arith.constant 0.000000e+00 : f32
      %swap3A_12 = arith.constant 0 : index
      %swap3A_13 = memref.load %arg15[%swap3A_12] : memref<4xf32, #tpu.memory_space<smem>>
      memref.store %swap3A, %arg15[%swap3A_12] : memref<4xf32, #tpu.memory_space<smem>>
      %swap3A_14 = arith.constant 0.000000e+00 : f32
      %swap3A_15 = arith.constant 1 : index
      %swap3A_16 = memref.load %arg15[%swap3A_15] : memref<4xf32, #tpu.memory_space<smem>>
      memref.store %swap3A_14, %arg15[%swap3A_15] : memref<4xf32, #tpu.memory_space<smem>>
      %swap3A_17 = arith.constant 0 : i32
      %swap3A_18 = arith.constant 1 : index
      %swap3A_19 = memref.load %arg16[%swap3A_18] : memref<2xi32, #tpu.memory_space<smem>>
      memref.store %swap3A_17, %arg16[%swap3A_18] : memref<2xi32, #tpu.memory_space<smem>>
    } else {
    }
    %lt3A = arith.constant 1 : i32
    %lt3A_4 = arith.cmpi slt, %arg1, %lt3A : i32
    %convert_element_type3A_5 = arith.extui %lt3A_4 : i1 to i32
    %cond3A_6 = arith.constant 0 : i32
    %cond3A_7 = arith.cmpi ne, %convert_element_type3A_5, %cond3A_6 : i32
    scf.if %cond3A_7 {
      %mul3A = arith.constant 8 : i32
      %mul3A_12 = arith.muli %arg1, %mul3A : i32
      %get3A = arith.constant 0 : index
      %get3A_13 = arith.index_cast %mul3A_12 : i32 to index
      %get3A_14 = arith.constant 0 : index
      %get3A_15 = vector.load %arg2[%get3A, %get3A_13, %get3A_14] : memref<2x8x4096xf32, #tpu.memory_space<vmem>>, vector<1x8x4096xf32>
      %get3A_16 = vector.shape_cast %get3A_15 : vector<1x8x4096xf32> to vector<8x4096xf32>
      %mul3A_17 = arith.constant 8 : i32
      %mul3A_18 = arith.muli %arg1, %mul3A_17 : i32
      %get3A_19 = arith.constant 1 : index
      %get3A_20 = arith.index_cast %mul3A_18 : i32 to index
      %get3A_21 = arith.constant 0 : index
      %get3A_22 = vector.load %arg2[%get3A_19, %get3A_20, %get3A_21] : memref<2x8x4096xf32, #tpu.memory_space<vmem>>, vector<1x8x4096xf32>
      %get3A_23 = vector.shape_cast %get3A_22 : vector<1x8x4096xf32> to vector<8x4096xf32>
      %mul3A_24 = arith.constant 5.000000e-01 : f32
      %mul3A_25 = vector.broadcast %mul3A_24 : f32 to vector<8x4096xf32>
      %mul3A_26 = arith.mulf %get3A_23, %mul3A_25 : vector<8x4096xf32>
      %sub3A = arith.subf %get3A_16, %mul3A_26 : vector<8x4096xf32>
      %mul3A_27 = arith.constant 5.000000e-01 : f32
      %mul3A_28 = vector.broadcast %mul3A_27 : f32 to vector<8x4096xf32>
      %mul3A_29 = arith.mulf %get3A_23, %mul3A_28 : vector<8x4096xf32>
      %add3A = arith.addf %get3A_16, %mul3A_29 : vector<8x4096xf32>
      %get3A_30 = arith.constant 0 : index
      %get3A_31 = arith.constant 0 : index
      %get3A_32 = arith.constant 0 : index
      %get3A_33 = vector.load %arg3[%get3A_30, %get3A_31, %get3A_32] : memref<1x3x16xf32, #tpu.memory_space<vmem>>, vector<1x1x16xf32>
      %get3A_34 = vector.shape_cast %get3A_33 : vector<1x1x16xf32> to vector<16xf32>
      %get3A_35 = arith.constant 0 : index
      %get3A_36 = arith.constant 1 : index
      %get3A_37 = arith.constant 0 : index
      %get3A_38 = vector.load %arg3[%get3A_35, %get3A_36, %get3A_37] : memref<1x3x16xf32, #tpu.memory_space<vmem>>, vector<1x1x16xf32>
      %get3A_39 = vector.shape_cast %get3A_38 : vector<1x1x16xf32> to vector<16xf32>
      %broadcast_in_dim3A = vector.shape_cast %get3A_34 : vector<16xf32> to vector<16x1x1xf32>
      %broadcast_in_dim3A_40 = vector.shape_cast %get3A_39 : vector<16xf32> to vector<16x1x1xf32>
      %broadcast_in_dim3A_41 = vector.shape_cast %sub3A : vector<8x4096xf32> to vector<1x8x4096xf32>
      %max3A = vector.broadcast %broadcast_in_dim3A : vector<16x1x1xf32> to vector<16x8x4096xf32>
      %max3A_42 = vector.broadcast %broadcast_in_dim3A_41 : vector<1x8x4096xf32> to vector<16x8x4096xf32>
      %max3A_43 = arith.maximumf %max3A, %max3A_42 : vector<16x8x4096xf32>
      %broadcast_in_dim3A_44 = vector.shape_cast %add3A : vector<8x4096xf32> to vector<1x8x4096xf32>
      %min3A = vector.broadcast %broadcast_in_dim3A_40 : vector<16x1x1xf32> to vector<16x8x4096xf32>
      %min3A_45 = vector.broadcast %broadcast_in_dim3A_44 : vector<1x8x4096xf32> to vector<16x8x4096xf32>
      %min3A_46 = arith.minimumf %min3A, %min3A_45 : vector<16x8x4096xf32>
      %sub3A_47 = arith.subf %min3A_46, %max3A_43 : vector<16x8x4096xf32>
      %max3A_48 = arith.constant 0.000000e+00 : f32
      %max3A_49 = vector.broadcast %max3A_48 : f32 to vector<16x8x4096xf32>
      %max3A_50 = arith.maximumf %sub3A_47, %max3A_49 : vector<16x8x4096xf32>
      %sub3A_51 = arith.subf %broadcast_in_dim3A_40, %broadcast_in_dim3A : vector<16x1x1xf32>
      %sub3A_52 = arith.subf %add3A, %sub3A : vector<8x4096xf32>
      %broadcast_in_dim3A_53 = vector.shape_cast %sub3A_52 : vector<8x4096xf32> to vector<1x8x4096xf32>
      %add3A_54 = vector.broadcast %sub3A_51 : vector<16x1x1xf32> to vector<16x8x4096xf32>
      %add3A_55 = vector.broadcast %broadcast_in_dim3A_53 : vector<1x8x4096xf32> to vector<16x8x4096xf32>
      %add3A_56 = arith.addf %add3A_54, %add3A_55 : vector<16x8x4096xf32>
      %sub3A_57 = arith.subf %add3A_56, %max3A_50 : vector<16x8x4096xf32>
      %div3A = arith.divf %max3A_50, %sub3A_57 : vector<16x8x4096xf32>
      %iota3A = tpu.iota {dimensions = array<i32: 0>} : vector<16x8x4096xi32>
      %reduce_max3A = arith.constant dense<0xFF800000> : vector<8x4096xf32>
      %reduce_max3A_58 = vector.multi_reduction <maximumf>, %div3A, %reduce_max3A [0] : vector<16x8x4096xf32> to vector<8x4096xf32>
      %broadcast_in_dim3A_59 = vector.shape_cast %reduce_max3A_58 : vector<8x4096xf32> to vector<1x8x4096xf32>
      %eq3A_60 = vector.broadcast %broadcast_in_dim3A_59 : vector<1x8x4096xf32> to vector<16x8x4096xf32>
      %eq3A_61 = arith.cmpf oeq, %div3A, %eq3A_60 : vector<16x8x4096xf32>
      %jit3A = arith.constant 16 : i32
      %broadcast_in_dim3A_62 = vector.broadcast %jit3A : i32 to vector<16x8x4096xi32>
      %select_n3A = arith.select %eq3A_61, %iota3A, %broadcast_in_dim3A_62 : vector<16x8x4096xi1>, vector<16x8x4096xi32>
      %reduce_min3A = arith.constant dense<2147483647> : vector<8x4096xi32>
      %reduce_min3A_63 = vector.multi_reduction <minsi>, %select_n3A, %reduce_min3A [0] : vector<16x8x4096xi32> to vector<8x4096xi32>
      %mul3A_64 = arith.constant 8 : i32
      %mul3A_65 = arith.muli %arg1, %mul3A_64 : i32
      %swap3A = arith.index_cast %mul3A_65 : i32 to index
      %swap3A_66 = arith.constant 0 : index
      %swap3A_67 = vector.load %arg9[%swap3A, %swap3A_66] : memref<8x4096xf32, #tpu.memory_space<vmem>>, vector<8x4096xf32>
      tpu.vector_store %arg9[%swap3A, %swap3A_66], %reduce_max3A_58 {strides = array<i32>} : memref<8x4096xf32, #tpu.memory_space<vmem>>, vector<8x4096xf32>,
      %mul3A_68 = arith.constant 8 : i32
      %mul3A_69 = arith.muli %arg1, %mul3A_68 : i32
      %swap3A_70 = arith.index_cast %mul3A_69 : i32 to index
      %swap3A_71 = arith.constant 0 : index
      %swap3A_72 = vector.load %arg10[%swap3A_70, %swap3A_71] : memref<8x4096xi32, #tpu.memory_space<vmem>>, vector<8x4096xi32>
      tpu.vector_store %arg10[%swap3A_70, %swap3A_71], %reduce_min3A_63 {strides = array<i32>} : memref<8x4096xi32, #tpu.memory_space<vmem>>, vector<8x4096xi32>,
      %reduce_max3A_73 = arith.constant dense<0xFF800000> : vector<16xf32>
      %reduce_max3A_74 = vector.multi_reduction <maximumf>, %div3A, %reduce_max3A_73 [1, 2] : vector<16x8x4096xf32> to vector<16xf32>
      %iota3A_75 = tpu.iota {dimensions = array<i32: 1>} : vector<16x8x4096xi32>
      %iota3A_76 = tpu.iota {dimensions = array<i32: 2>} : vector<16x8x4096xi32>
      %mul3A_77 = arith.constant 32768 : i32
      %mul3A_78 = arith.muli %arg1, %mul3A_77 : i32
      %mul3A_79 = arith.constant 4096 : i32
      %mul3A_80 = vector.broadcast %mul3A_79 : i32 to vector<16x8x4096xi32>
      %mul3A_81 = arith.muli %iota3A_75, %mul3A_80 : vector<16x8x4096xi32>
      %add3A_82 = vector.broadcast %mul3A_78 : i32 to vector<16x8x4096xi32>
      %add3A_83 = arith.addi %add3A_82, %mul3A_81 : vector<16x8x4096xi32>
      %add3A_84 = arith.addi %add3A_83, %iota3A_76 : vector<16x8x4096xi32>
      %broadcast_in_dim3A_85 = vector.shape_cast %reduce_max3A_74 : vector<16xf32> to vector<16x1x1xf32>
      %eq3A_86 = vector.broadcast %broadcast_in_dim3A_85 : vector<16x1x1xf32> to vector<16x8x4096xf32>
      %eq3A_87 = arith.cmpf oeq, %div3A, %eq3A_86 : vector<16x8x4096xf32>
      %jit3A_88 = arith.constant 32768 : i32
      %broadcast_in_dim3A_89 = vector.broadcast %jit3A_88 : i32 to vector<16x8x4096xi32>
      %select_n3A_90 = arith.select %eq3A_87, %add3A_84, %broadcast_in_dim3A_89 : vector<16x8x4096xi1>, vector<16x8x4096xi32>
      %reduce_min3A_91 = arith.constant dense<2147483647> : vector<16xi32>
      %reduce_min3A_92 = vector.multi_reduction <minsi>, %select_n3A_90, %reduce_min3A_91 [1, 2] : vector<16x8x4096xi32> to vector<16xi32>
      %reshape3A = vector.shape_cast %reduce_max3A_74 : vector<16xf32> to vector<1x16xf32>
      %swap3A_93 = arith.index_cast %arg1 : i32 to index
      %swap3A_94 = arith.constant 0 : index
      %swap3A_95 = vector.load %arg12[%swap3A_93, %swap3A_94] : memref<1x16xf32, #tpu.memory_space<vmem>>, vector<1x16xf32>
      tpu.vector_store %arg12[%swap3A_93, %swap3A_94], %reshape3A {strides = array<i32>} : memref<1x16xf32, #tpu.memory_space<vmem>>, vector<1x16xf32>,
      %reshape3A_96 = vector.shape_cast %reduce_min3A_92 : vector<16xi32> to vector<1x16xi32>
      %swap3A_97 = arith.index_cast %arg1 : i32 to index
      %swap3A_98 = arith.constant 0 : index
      %swap3A_99 = vector.load %arg13[%swap3A_97, %swap3A_98] : memref<1x16xi32, #tpu.memory_space<vmem>>, vector<1x16xi32>
      tpu.vector_store %arg13[%swap3A_97, %swap3A_98], %reshape3A_96 {strides = array<i32>} : memref<1x16xi32, #tpu.memory_space<vmem>>, vector<1x16xi32>,
      %eq3A_100 = arith.constant 0 : i32
      %eq3A_101 = arith.cmpi eq, %arg1, %eq3A_100 : i32
      %convert_element_type3A_102 = arith.extui %eq3A_101 : i1 to i32
      %cond3A_103 = arith.constant 0 : i32
      %cond3A_104 = arith.cmpi ne, %convert_element_type3A_102, %cond3A_103 : i32
      scf.if %cond3A_104 {
        %get3A_105 = arith.constant 0 : index
        %get3A_106 = arith.constant 0 : index
        %get3A_107 = vector.load %arg12[%get3A_105, %get3A_106] : memref<1x16xf32, #tpu.memory_space<vmem>>, vector<1x16xf32>
        %get3A_108 = arith.constant 0 : index
        %get3A_109 = arith.constant 0 : index
        %get3A_110 = vector.load %arg13[%get3A_108, %get3A_109] : memref<1x16xi32, #tpu.memory_space<vmem>>, vector<1x16xi32>
        %reduce_max3A_111 = arith.constant dense<0xFF800000> : vector<16xf32>
        %reduce_max3A_112 = vector.multi_reduction <maximumf>, %get3A_107, %reduce_max3A_111 [0] : vector<1x16xf32> to vector<16xf32>
        %iota3A_113 = tpu.iota {dimensions = array<i32: 0>} : vector<1x16xi32>
        %broadcast_in_dim3A_114 = vector.shape_cast %reduce_max3A_112 : vector<16xf32> to vector<1x16xf32>
        %eq3A_115 = arith.cmpf oeq, %get3A_107, %broadcast_in_dim3A_114 : vector<1x16xf32>
        %jit3A_116 = arith.constant 1 : i32
        %broadcast_in_dim3A_117 = vector.broadcast %jit3A_116 : i32 to vector<1x16xi32>
        %select_n3A_118 = arith.select %eq3A_115, %iota3A_113, %broadcast_in_dim3A_117 : vector<1x16xi1>, vector<1x16xi32>
        %reduce_min3A_119 = arith.constant dense<2147483647> : vector<16xi32>
        %reduce_min3A_120 = vector.multi_reduction <minsi>, %select_n3A_118, %reduce_min3A_119 [0] : vector<1x16xi32> to vector<16xi32>
        %broadcast_in_dim3A_121 = arith.constant 0 : i32
        %broadcast_in_dim3A_122 = vector.broadcast %broadcast_in_dim3A_121 : i32 to vector<16xi32>
        %eq3A_123 = arith.constant 0 : i32
        %eq3A_124 = vector.broadcast %eq3A_123 : i32 to vector<16xi32>
        %eq3A_125 = arith.cmpi eq, %reduce_min3A_120, %eq3A_124 : vector<16xi32>
        %squeeze3A = vector.shape_cast %get3A_110 : vector<1x16xi32> to vector<16xi32>
        %select_n3A_126 = arith.select %eq3A_125, %squeeze3A, %broadcast_in_dim3A_122 : vector<16xi1>, vector<16xi32>
        %swap3A_127 = arith.constant 0 : index
        %swap3A_128 = arith.constant 0 : index
        %swap3A_129 = vector.load %arg14[%swap3A_127, %swap3A_128] : memref<1x16xi32, #tpu.memory_space<vmem>>, vector<1x16xi32>
        %swap3A_130 = vector.shape_cast %swap3A_129 : vector<1x16xi32> to vector<16xi32>
        %swap3A_131 = vector.shape_cast %select_n3A_126 : vector<16xi32> to vector<1x16xi32>
        tpu.vector_store %arg14[%swap3A_127, %swap3A_128], %swap3A_131 {strides = array<i32>} : memref<1x16xi32, #tpu.memory_space<vmem>>, vector<1x16xi32>,
      } else {
      }
    } else {
    }
    %ge3A = arith.constant 1 : i32
    %ge3A_8 = arith.cmpi sge, %arg1, %ge3A : i32
    %convert_element_type3A_9 = arith.extui %ge3A_8 : i1 to i32
    %cond3A_10 = arith.constant 0 : i32
    %cond3A_11 = arith.cmpi ne, %convert_element_type3A_9, %cond3A_10 : i32
    scf.if %cond3A_11 {
      %sub3A = arith.constant 1 : i32
      %sub3A_12 = arith.subi %arg1, %sub3A : i32
      %eq3A_13 = arith.constant 0 : i32
      %eq3A_14 = arith.cmpi eq, %sub3A_12, %eq3A_13 : i32
      %convert_element_type3A_15 = arith.extui %eq3A_14 : i1 to i32
      %cond3A_16 = arith.constant 0 : i32
      %cond3A_17 = arith.cmpi ne, %convert_element_type3A_15, %cond3A_16 : i32
      scf.if %cond3A_17 {
        %swap3A_244 = arith.constant 0.000000e+00 : f32
        %swap3A_245 = arith.constant 2 : index
        %swap3A_246 = memref.load %arg15[%swap3A_245] : memref<4xf32, #tpu.memory_space<smem>>
        memref.store %swap3A_244, %arg15[%swap3A_245] : memref<4xf32, #tpu.memory_space<smem>>
        %swap3A_247 = arith.constant 0 : i32
        %swap3A_248 = arith.constant 0 : index
        %swap3A_249 = memref.load %arg16[%swap3A_248] : memref<2xi32, #tpu.memory_space<smem>>
        memref.store %swap3A_247, %arg16[%swap3A_248] : memref<2xi32, #tpu.memory_space<smem>>
      } else {
      }
      %mul3A = arith.constant 8 : i32
      %mul3A_18 = arith.muli %sub3A_12, %mul3A : i32
      %get3A = arith.constant 0 : index
      %get3A_19 = arith.index_cast %mul3A_18 : i32 to index
      %get3A_20 = arith.constant 0 : index
      %get3A_21 = vector.load %arg2[%get3A, %get3A_19, %get3A_20] : memref<2x8x4096xf32, #tpu.memory_space<vmem>>, vector<1x8x4096xf32>
      %get3A_22 = vector.shape_cast %get3A_21 : vector<1x8x4096xf32> to vector<8x4096xf32>
      %mul3A_23 = arith.constant 8 : i32
      %mul3A_24 = arith.muli %sub3A_12, %mul3A_23 : i32
      %get3A_25 = arith.constant 1 : index
      %get3A_26 = arith.index_cast %mul3A_24 : i32 to index
      %get3A_27 = arith.constant 0 : index
      %get3A_28 = vector.load %arg2[%get3A_25, %get3A_26, %get3A_27] : memref<2x8x4096xf32, #tpu.memory_space<vmem>>, vector<1x8x4096xf32>
      %get3A_29 = vector.shape_cast %get3A_28 : vector<1x8x4096xf32> to vector<8x4096xf32>
      %get3A_30 = arith.constant 0 : index
      %get3A_31 = arith.constant 0 : index
      %get3A_32 = arith.constant 0 : index
      %get3A_33 = vector.load %arg3[%get3A_30, %get3A_31, %get3A_32] : memref<1x3x16xf32, #tpu.memory_space<vmem>>, vector<1x1x16xf32>
      %get3A_34 = vector.shape_cast %get3A_33 : vector<1x1x16xf32> to vector<16xf32>
      %get3A_35 = arith.constant 0 : index
      %get3A_36 = arith.constant 1 : index
      %get3A_37 = arith.constant 0 : index
      %get3A_38 = vector.load %arg3[%get3A_35, %get3A_36, %get3A_37] : memref<1x3x16xf32, #tpu.memory_space<vmem>>, vector<1x1x16xf32>
      %get3A_39 = vector.shape_cast %get3A_38 : vector<1x1x16xf32> to vector<16xf32>
      %get3A_40 = arith.constant 0 : index
      %get3A_41 = arith.constant 2 : index
      %get3A_42 = arith.constant 0 : index
      %get3A_43 = vector.load %arg3[%get3A_40, %get3A_41, %get3A_42] : memref<1x3x16xf32, #tpu.memory_space<vmem>>, vector<1x1x16xf32>
      %get3A_44 = vector.shape_cast %get3A_43 : vector<1x1x16xf32> to vector<16xf32>
      %mul3A_45 = arith.constant 8 : i32
      %mul3A_46 = arith.muli %sub3A_12, %mul3A_45 : i32
      %get3A_47 = arith.index_cast %mul3A_46 : i32 to index
      %get3A_48 = arith.constant 0 : index
      %get3A_49 = vector.load %arg9[%get3A_47, %get3A_48] : memref<8x4096xf32, #tpu.memory_space<vmem>>, vector<8x4096xf32>
      %mul3A_50 = arith.constant 8 : i32
      %mul3A_51 = arith.muli %sub3A_12, %mul3A_50 : i32
      %get3A_52 = arith.index_cast %mul3A_51 : i32 to index
      %get3A_53 = arith.constant 0 : index
      %get3A_54 = vector.load %arg10[%get3A_52, %get3A_53] : memref<8x4096xi32, #tpu.memory_space<vmem>>, vector<8x4096xi32>
      %get3A_55 = arith.constant 0 : index
      %get3A_56 = arith.constant 0 : index
      %get3A_57 = vector.load %arg14[%get3A_55, %get3A_56] : memref<1x16xi32, #tpu.memory_space<vmem>>, vector<1x16xi32>
      %get3A_58 = vector.shape_cast %get3A_57 : vector<1x16xi32> to vector<16xi32>
      %iota3A = tpu.iota {dimensions = array<i32: 1>} : vector<16x8x4096xi32>
      %iota3A_59 = tpu.iota {dimensions = array<i32: 2>} : vector<16x8x4096xi32>
      %mul3A_60 = arith.constant 32768 : i32
      %mul3A_61 = arith.muli %sub3A_12, %mul3A_60 : i32
      %mul3A_62 = arith.constant 4096 : i32
      %mul3A_63 = vector.broadcast %mul3A_62 : i32 to vector<16x8x4096xi32>
      %mul3A_64 = arith.muli %iota3A, %mul3A_63 : vector<16x8x4096xi32>
      %add3A = vector.broadcast %mul3A_61 : i32 to vector<16x8x4096xi32>
      %add3A_65 = arith.addi %add3A, %mul3A_64 : vector<16x8x4096xi32>
      %add3A_66 = arith.addi %add3A_65, %iota3A_59 : vector<16x8x4096xi32>
      %broadcast_in_dim3A = vector.shape_cast %get3A_58 : vector<16xi32> to vector<16x1x1xi32>
      %eq3A_67 = vector.broadcast %broadcast_in_dim3A : vector<16x1x1xi32> to vector<16x8x4096xi32>
      %eq3A_68 = arith.cmpi eq, %eq3A_67, %add3A_66 : vector<16x8x4096xi32>
      %iota3A_69 = tpu.iota {dimensions = array<i32: 0>} : vector<16x8x4096xi32>
      %jit3A = arith.constant -1 : i32
      %broadcast_in_dim3A_70 = vector.broadcast %jit3A : i32 to vector<16x8x4096xi32>
      %select_n3A = arith.select %eq3A_68, %iota3A_69, %broadcast_in_dim3A_70 : vector<16x8x4096xi1>, vector<16x8x4096xi32>
      %reduce_max3A = arith.constant dense<-2147483648> : vector<8x4096xi32>
      %reduce_max3A_71 = vector.multi_reduction <maxsi>, %select_n3A, %reduce_max3A [0] : vector<16x8x4096xi32> to vector<8x4096xi32>
      %ge3A_72 = arith.constant 0 : i32
      %ge3A_73 = vector.broadcast %ge3A_72 : i32 to vector<8x4096xi32>
      %ge3A_74 = arith.cmpi sge, %reduce_max3A_71, %ge3A_73 : vector<8x4096xi32>
      %jit3A_75 = arith.constant 2.000000e+00 : f32
      %broadcast_in_dim3A_76 = vector.broadcast %jit3A_75 : f32 to vector<8x4096xf32>
      %select_n3A_77 = arith.select %ge3A_74, %broadcast_in_dim3A_76, %get3A_49 : vector<8x4096xi1>, vector<8x4096xf32>
      %select_n3A_78 = arith.select %ge3A_74, %reduce_max3A_71, %get3A_54 : vector<8x4096xi1>, vector<8x4096xi32>
      %broadcast_in_dim3A_79 = vector.shape_cast %select_n3A_78 : vector<8x4096xi32> to vector<1x8x4096xi32>
      %eq3A_80 = vector.broadcast %broadcast_in_dim3A_79 : vector<1x8x4096xi32> to vector<16x8x4096xi32>
      %eq3A_81 = arith.cmpi eq, %eq3A_80, %iota3A_69 : vector<16x8x4096xi32>
      %broadcast_in_dim3A_82 = vector.shape_cast %get3A_34 : vector<16xf32> to vector<16x1x1xf32>
      %jit3A_83 = arith.constant 0.000000e+00 : f32
      %broadcast_in_dim3A_84 = vector.shape_cast %broadcast_in_dim3A_82 : vector<16x1x1xf32> to vector<16x1x1xf32>
      %broadcast_in_dim3A_85 = vector.broadcast %broadcast_in_dim3A_84 : vector<16x1x1xf32> to vector<16x8x4096xf32>
      %broadcast_in_dim3A_86 = vector.broadcast %jit3A_83 : f32 to vector<16x8x4096xf32>
      %select_n3A_87 = arith.select %eq3A_81, %broadcast_in_dim3A_85, %broadcast_in_dim3A_86 : vector<16x8x4096xi1>, vector<16x8x4096xf32>
      %reduce_sum3A = arith.constant dense<0.000000e+00> : vector<8x4096xf32>
      %reduce_sum3A_88 = vector.multi_reduction <add>, %select_n3A_87, %reduce_sum3A [0] : vector<16x8x4096xf32> to vector<8x4096xf32>
      %broadcast_in_dim3A_89 = vector.shape_cast %get3A_39 : vector<16xf32> to vector<16x1x1xf32>
      %jit3A_90 = arith.constant 0.000000e+00 : f32
      %broadcast_in_dim3A_91 = vector.shape_cast %broadcast_in_dim3A_89 : vector<16x1x1xf32> to vector<16x1x1xf32>
      %broadcast_in_dim3A_92 = vector.broadcast %broadcast_in_dim3A_91 : vector<16x1x1xf32> to vector<16x8x4096xf32>
      %broadcast_in_dim3A_93 = vector.broadcast %jit3A_90 : f32 to vector<16x8x4096xf32>
      %select_n3A_94 = arith.select %eq3A_81, %broadcast_in_dim3A_92, %broadcast_in_dim3A_93 : vector<16x8x4096xi1>, vector<16x8x4096xf32>
      %reduce_sum3A_95 = arith.constant dense<0.000000e+00> : vector<8x4096xf32>
      %reduce_sum3A_96 = vector.multi_reduction <add>, %select_n3A_94, %reduce_sum3A_95 [0] : vector<16x8x4096xf32> to vector<8x4096xf32>
      %broadcast_in_dim3A_97 = vector.shape_cast %get3A_44 : vector<16xf32> to vector<16x1x1xf32>
      %jit3A_98 = arith.constant 0.000000e+00 : f32
      %broadcast_in_dim3A_99 = vector.shape_cast %broadcast_in_dim3A_97 : vector<16x1x1xf32> to vector<16x1x1xf32>
      %broadcast_in_dim3A_100 = vector.broadcast %broadcast_in_dim3A_99 : vector<16x1x1xf32> to vector<16x8x4096xf32>
      %broadcast_in_dim3A_101 = vector.broadcast %jit3A_98 : f32 to vector<16x8x4096xf32>
      %select_n3A_102 = arith.select %eq3A_81, %broadcast_in_dim3A_100, %broadcast_in_dim3A_101 : vector<16x8x4096xi1>, vector<16x8x4096xf32>
      %reduce_sum3A_103 = arith.constant dense<0.000000e+00> : vector<8x4096xf32>
      %reduce_sum3A_104 = vector.multi_reduction <add>, %select_n3A_102, %reduce_sum3A_103 [0] : vector<16x8x4096xf32> to vector<8x4096xf32>
      %lt3A_105 = arith.constant 5.000000e-01 : f32
      %lt3A_106 = vector.broadcast %lt3A_105 : f32 to vector<8x4096xf32>
      %lt3A_107 = arith.cmpf olt, %select_n3A_77, %lt3A_106 : vector<8x4096xf32>
      %add3A_108 = arith.constant 1.000000e+00 : f32
      %add3A_109 = vector.broadcast %add3A_108 : f32 to vector<8x4096xf32>
      %add3A_110 = arith.addf %reduce_sum3A_104, %add3A_109 : vector<8x4096xf32>
      %jit3A_111 = arith.constant 0.000000e+00 : f32
      %broadcast_in_dim3A_112 = vector.broadcast %jit3A_111 : f32 to vector<8x4096xf32>
      %select_n3A_113 = arith.select %lt3A_107, %broadcast_in_dim3A_112, %add3A_110 : vector<8x4096xi1>, vector<8x4096xf32>
      %gt3A = arith.constant 0.000000e+00 : f32
      %gt3A_114 = vector.broadcast %gt3A : f32 to vector<8x4096xf32>
      %gt3A_115 = arith.cmpf ogt, %select_n3A_113, %gt3A_114 : vector<8x4096xf32>
      %get3A_116 = arith.constant 0 : index
      %get3A_117 = memref.load %arg16[%get3A_116] : memref<2xi32, #tpu.memory_space<smem>>
      %convert_element_type3A_118 = arith.extui %gt3A_115 : vector<8x4096xi1> to vector<8x4096xi32>
      %reduce_sum3A_119 = vector.shape_cast %convert_element_type3A_118 : vector<8x4096xi32> to vector<1x8x4096xi32>
      %reduce_sum3A_120 = arith.constant dense<0> : vector<1xi32>
      %reduce_sum3A_121 = vector.multi_reduction <add>, %reduce_sum3A_119, %reduce_sum3A_120 [1, 2] : vector<1x8x4096xi32> to vector<1xi32>
      %reduce_sum3A_122 = vector.shape_cast %reduce_sum3A_121 : vector<1xi32> to vector<1x1x1xi32>
      %reduce_sum3A_123 = vector.extract %reduce_sum3A_122[0, 0, 0] : i32 from vector<1x1x1xi32>
      %add3A_124 = arith.addi %get3A_117, %reduce_sum3A_123 : i32
      %swap3A = arith.constant 0 : index
      %swap3A_125 = memref.load %arg16[%swap3A] : memref<2xi32, #tpu.memory_space<smem>>
      memref.store %add3A_124, %arg16[%swap3A] : memref<2xi32, #tpu.memory_space<smem>>
      %add3A_126 = arith.addf %reduce_sum3A_88, %reduce_sum3A_96 : vector<8x4096xf32>
      %mul3A_127 = arith.constant 5.000000e-01 : f32
      %mul3A_128 = vector.broadcast %mul3A_127 : f32 to vector<8x4096xf32>
      %mul3A_129 = arith.mulf %add3A_126, %mul3A_128 : vector<8x4096xf32>
      %sub3A_130 = arith.subf %mul3A_129, %get3A_22 : vector<8x4096xf32>
      %mul3A_131 = arith.constant 1.000000e-01 : f32
      %mul3A_132 = vector.broadcast %mul3A_131 : f32 to vector<8x4096xf32>
      %mul3A_133 = arith.mulf %mul3A_132, %get3A_29 : vector<8x4096xf32>
      %div3A = arith.divf %sub3A_130, %mul3A_133 : vector<8x4096xf32>
      %sub3A_134 = arith.subf %reduce_sum3A_96, %reduce_sum3A_88 : vector<8x4096xf32>
      %div3A_135 = arith.divf %sub3A_134, %get3A_29 : vector<8x4096xf32>
      %log3A = math.log %div3A_135 : vector<8x4096xf32>
      %div3A_136 = arith.constant 2.000000e-01 : f32
      %div3A_137 = vector.broadcast %div3A_136 : f32 to vector<8x4096xf32>
      %div3A_138 = arith.divf %log3A, %div3A_137 : vector<8x4096xf32>
      %get3A_139 = arith.constant 0 : index
      %get3A_140 = arith.constant 0 : index
      %get3A_141 = arith.constant 0 : index
      %get3A_142 = arith.constant 0 : index
      %get3A_143 = vector.load %arg4[%get3A_139, %get3A_140, %get3A_141, %get3A_142] : memref<1x2x8x4096xf32, #tpu.memory_space<vmem>>, vector<1x1x8x4096xf32>
      %get3A_144 = vector.shape_cast %get3A_143 : vector<1x1x8x4096xf32> to vector<8x4096xf32>
      %sub3A_145 = arith.subf %get3A_144, %div3A : vector<8x4096xf32>
      %get3A_146 = arith.constant 0 : index
      %get3A_147 = arith.constant 1 : index
      %get3A_148 = arith.constant 0 : index
      %get3A_149 = arith.constant 0 : index
      %get3A_150 = vector.load %arg4[%get3A_146, %get3A_147, %get3A_148, %get3A_149] : memref<1x2x8x4096xf32, #tpu.memory_space<vmem>>, vector<1x1x8x4096xf32>
      %get3A_151 = vector.shape_cast %get3A_150 : vector<1x1x8x4096xf32> to vector<8x4096xf32>
      %sub3A_152 = arith.subf %get3A_151, %div3A_138 : vector<8x4096xf32>
      %abs3A = math.absf %sub3A_145 : vector<8x4096xf32>
      %lt3A_153 = arith.constant 1.000000e+00 : f32
      %lt3A_154 = vector.broadcast %lt3A_153 : f32 to vector<8x4096xf32>
      %lt3A_155 = arith.cmpf olt, %abs3A, %lt3A_154 : vector<8x4096xf32>
      %mul3A_156 = arith.constant 5.000000e-01 : f32
      %mul3A_157 = vector.broadcast %mul3A_156 : f32 to vector<8x4096xf32>
      %mul3A_158 = arith.mulf %mul3A_157, %sub3A_145 : vector<8x4096xf32>
      %mul3A_159 = arith.mulf %mul3A_158, %sub3A_145 : vector<8x4096xf32>
      %abs3A_160 = math.absf %sub3A_145 : vector<8x4096xf32>
      %sub3A_161 = arith.constant 5.000000e-01 : f32
      %sub3A_162 = vector.broadcast %sub3A_161 : f32 to vector<8x4096xf32>
      %sub3A_163 = arith.subf %abs3A_160, %sub3A_162 : vector<8x4096xf32>
      %select_n3A_164 = arith.select %lt3A_155, %mul3A_159, %sub3A_163 : vector<8x4096xi1>, vector<8x4096xf32>
      %abs3A_165 = math.absf %sub3A_152 : vector<8x4096xf32>
      %lt3A_166 = arith.constant 1.000000e+00 : f32
      %lt3A_167 = vector.broadcast %lt3A_166 : f32 to vector<8x4096xf32>
      %lt3A_168 = arith.cmpf olt, %abs3A_165, %lt3A_167 : vector<8x4096xf32>
      %mul3A_169 = arith.constant 5.000000e-01 : f32
      %mul3A_170 = vector.broadcast %mul3A_169 : f32 to vector<8x4096xf32>
      %mul3A_171 = arith.mulf %mul3A_170, %sub3A_152 : vector<8x4096xf32>
      %mul3A_172 = arith.mulf %mul3A_171, %sub3A_152 : vector<8x4096xf32>
      %abs3A_173 = math.absf %sub3A_152 : vector<8x4096xf32>
      %sub3A_174 = arith.constant 5.000000e-01 : f32
      %sub3A_175 = vector.broadcast %sub3A_174 : f32 to vector<8x4096xf32>
      %sub3A_176 = arith.subf %abs3A_173, %sub3A_175 : vector<8x4096xf32>
      %select_n3A_177 = arith.select %lt3A_168, %mul3A_172, %sub3A_176 : vector<8x4096xi1>, vector<8x4096xf32>
      %add3A_178 = arith.addf %select_n3A_164, %select_n3A_177 : vector<8x4096xf32>
      %get3A_179 = arith.constant 0 : index
      %get3A_180 = memref.load %arg15[%get3A_179] : memref<4xf32, #tpu.memory_space<smem>>
      %jit3A_181 = arith.constant 0.000000e+00 : f32
      %broadcast_in_dim3A_182 = vector.broadcast %jit3A_181 : f32 to vector<8x4096xf32>
      %select_n3A_183 = arith.select %gt3A_115, %add3A_178, %broadcast_in_dim3A_182 : vector<8x4096xi1>, vector<8x4096xf32>
      %reduce_sum3A_184 = vector.shape_cast %select_n3A_183 : vector<8x4096xf32> to vector<1x8x4096xf32>
      %reduce_sum3A_185 = arith.constant dense<0.000000e+00> : vector<1xf32>
      %reduce_sum3A_186 = vector.multi_reduction <add>, %reduce_sum3A_184, %reduce_sum3A_185 [1, 2] : vector<1x8x4096xf32> to vector<1xf32>
      %reduce_sum3A_187 = vector.shape_cast %reduce_sum3A_186 : vector<1xf32> to vector<1x1x1xf32>
      %reduce_sum3A_188 = vector.extract %reduce_sum3A_187[0, 0, 0] : f32 from vector<1x1x1xf32>
      %add3A_189 = arith.addf %get3A_180, %reduce_sum3A_188 : f32
      %swap3A_190 = arith.constant 0 : index
      %swap3A_191 = memref.load %arg15[%swap3A_190] : memref<4xf32, #tpu.memory_space<smem>>
      memref.store %add3A_189, %arg15[%swap3A_190] : memref<4xf32, #tpu.memory_space<smem>>
      %get3A_192 = arith.constant 0 : index
      %get3A_193 = arith.constant 0 : index
      %get3A_194 = arith.constant 0 : index
      %get3A_195 = arith.constant 0 : index
      %get3A_196 = vector.load %arg5[%get3A_192, %get3A_193, %get3A_194, %get3A_195] : memref<1x21x8x4096xf32, #tpu.memory_space<vmem>>, vector<1x21x8x4096xf32>
      %get3A_197 = vector.shape_cast %get3A_196 : vector<1x21x8x4096xf32> to vector<21x8x4096xf32>
      %reduce_max3A_198 = arith.constant dense<0xFF800000> : vector<8x4096xf32>
      %reduce_max3A_199 = vector.multi_reduction <maximumf>, %get3A_197, %reduce_max3A_198 [0] : vector<21x8x4096xf32> to vector<8x4096xf32>
      %broadcast_in_dim3A_200 = vector.shape_cast %reduce_max3A_199 : vector<8x4096xf32> to vector<1x8x4096xf32>
      %sub3A_201 = vector.broadcast %broadcast_in_dim3A_200 : vector<1x8x4096xf32> to vector<21x8x4096xf32>
      %sub3A_202 = arith.subf %get3A_197, %sub3A_201 : vector<21x8x4096xf32>
      %exp3A = math.exp %sub3A_202 : vector<21x8x4096xf32>
      %reduce_sum3A_203 = arith.constant dense<0.000000e+00> : vector<8x4096xf32>
      %reduce_sum3A_204 = vector.multi_reduction <add>, %exp3A, %reduce_sum3A_203 [0] : vector<21x8x4096xf32> to vector<8x4096xf32>
      %iota3A_205 = tpu.iota {dimensions = array<i32: 0>} : vector<21x8x4096xi32>
      %convert_element_type3A_206 = arith.fptosi %select_n3A_113 : vector<8x4096xf32> to vector<8x4096xi32>
      %broadcast_in_dim3A_207 = vector.shape_cast %convert_element_type3A_206 : vector<8x4096xi32> to vector<1x8x4096xi32>
      %eq3A_208 = vector.broadcast %broadcast_in_dim3A_207 : vector<1x8x4096xi32> to vector<21x8x4096xi32>
      %eq3A_209 = arith.cmpi eq, %iota3A_205, %eq3A_208 : vector<21x8x4096xi32>
      %jit3A_210 = arith.constant 0.000000e+00 : f32
      %broadcast_in_dim3A_211 = vector.broadcast %jit3A_210 : f32 to vector<21x8x4096xf32>
      %select_n3A_212 = arith.select %eq3A_209, %get3A_197, %broadcast_in_dim3A_211 : vector<21x8x4096xi1>, vector<21x8x4096xf32>
      %reduce_sum3A_213 = arith.constant dense<0.000000e+00> : vector<8x4096xf32>
      %reduce_sum3A_214 = vector.multi_reduction <add>, %select_n3A_212, %reduce_sum3A_213 [0] : vector<21x8x4096xf32> to vector<8x4096xf32>
      %log3A_215 = math.log %reduce_sum3A_204 : vector<8x4096xf32>
      %add3A_216 = arith.addf %log3A_215, %reduce_max3A_199 : vector<8x4096xf32>
      %sub3A_217 = arith.subf %add3A_216, %reduce_sum3A_214 : vector<8x4096xf32>
      %get3A_218 = arith.constant 2 : index
      %get3A_219 = memref.load %arg15[%get3A_218] : memref<4xf32, #tpu.memory_space<smem>>
      %jit3A_220 = arith.constant 0.000000e+00 : f32
      %broadcast_in_dim3A_221 = vector.broadcast %jit3A_220 : f32 to vector<8x4096xf32>
      %select_n3A_222 = arith.select %gt3A_115, %sub3A_217, %broadcast_in_dim3A_221 : vector<8x4096xi1>, vector<8x4096xf32>
      %reduce_sum3A_223 = vector.shape_cast %select_n3A_222 : vector<8x4096xf32> to vector<1x8x4096xf32>
      %reduce_sum3A_224 = arith.constant dense<0.000000e+00> : vector<1xf32>
      %reduce_sum3A_225 = vector.multi_reduction <add>, %reduce_sum3A_223, %reduce_sum3A_224 [1, 2] : vector<1x8x4096xf32> to vector<1xf32>
      %reduce_sum3A_226 = vector.shape_cast %reduce_sum3A_225 : vector<1xf32> to vector<1x1x1xf32>
      %reduce_sum3A_227 = vector.extract %reduce_sum3A_226[0, 0, 0] : f32 from vector<1x1x1xf32>
      %add3A_228 = arith.addf %get3A_219, %reduce_sum3A_227 : f32
      %swap3A_229 = arith.constant 2 : index
      %swap3A_230 = memref.load %arg15[%swap3A_229] : memref<4xf32, #tpu.memory_space<smem>>
      memref.store %add3A_228, %arg15[%swap3A_229] : memref<4xf32, #tpu.memory_space<smem>>
      %jit3A_231 = arith.constant 0.000000e+00 : f32
      %broadcast_in_dim3A_232 = vector.broadcast %jit3A_231 : f32 to vector<8x4096xf32>
      %select_n3A_233 = arith.select %gt3A_115, %broadcast_in_dim3A_232, %sub3A_217 : vector<8x4096xi1>, vector<8x4096xf32>
      %mul3A_234 = arith.constant 8 : i32
      %mul3A_235 = arith.muli %sub3A_12, %mul3A_234 : i32
      %swap3A_236 = arith.index_cast %mul3A_235 : i32 to index
      %swap3A_237 = arith.constant 0 : index
      %swap3A_238 = vector.load %arg11[%swap3A_236, %swap3A_237] : memref<8x4096xf32, #tpu.memory_space<vmem>>, vector<8x4096xf32>
      tpu.vector_store %arg11[%swap3A_236, %swap3A_237], %select_n3A_233 {strides = array<i32>} : memref<8x4096xf32, #tpu.memory_space<vmem>>, vector<8x4096xf32>,
      %eq3A_239 = arith.constant 0 : i32
      %eq3A_240 = arith.cmpi eq, %sub3A_12, %eq3A_239 : i32
      %convert_element_type3A_241 = arith.extui %eq3A_240 : i1 to i32
      %cond3A_242 = arith.constant 0 : i32
      %cond3A_243 = arith.cmpi ne, %convert_element_type3A_241, %cond3A_242 : i32
      scf.if %cond3A_243 {
        %get3A_244 = arith.constant 0 : index
        %get3A_245 = memref.load %arg16[%get3A_244] : memref<2xi32, #tpu.memory_space<smem>>
        %mul3A_246 = arith.constant 3 : i32
        %mul3A_247 = arith.muli %get3A_245, %mul3A_246 : i32
        %get3A_248 = arith.constant 0 : index
        %get3A_249 = memref.load %arg6[%get3A_248] : memref<1xi32, #tpu.memory_space<smem>>
        %jit3A_250 = arith.constant 32767 : i32
        %max3A = arith.maxsi %get3A_249, %mul3A_247 : i32
        %min3A = arith.minsi %jit3A_250, %max3A : i32
        %get3A_251 = arith.constant 0 : index
        %get3A_252 = arith.constant 0 : index
        %get3A_253 = vector.load %arg11[%get3A_251, %get3A_252] : memref<8x4096xf32, #tpu.memory_space<vmem>>, vector<8x4096xf32>
        %bitcast_convert_type3A = tpu.bitcast %get3A_253 : vector<8x4096xf32> -> vector<8x4096xi32>
        %scan3A = arith.constant 0 : i32
        %scan3A_254 = arith.constant 0 : i32
        %scan3A_255 = arith.constant 31 : i32
        %scan3A_256 = arith.addi %scan3A_254, %scan3A_255 : i32
        %scan3A_257 = arith.constant 1 : i32
        %scan3A_258 = scf.for %scan3A_308 = %scan3A_254 to %scan3A_256 step %scan3A_257 iter_args(%scan3A_309 = %scan3A) -> (i32)  : i32 {
          %sub3A_310 = arith.constant 30 : i32
          %sub3A_311 = arith.subi %sub3A_310, %scan3A_308 : i32
          %shift_left3A = arith.constant 1 : i32
          %shift_left3A_312 = arith.shli %shift_left3A, %sub3A_311 : i32
          %or3A = arith.ori %scan3A_309, %shift_left3A_312 : i32
          %ge3A_313 = vector.broadcast %or3A : i32 to vector<8x4096xi32>
          %ge3A_314 = arith.cmpi sge, %bitcast_convert_type3A, %ge3A_313 : vector<8x4096xi32>
          %convert_element_type3A_315 = arith.extui %ge3A_314 : vector<8x4096xi1> to vector<8x4096xi32>
          %reduce_sum3A_316 = vector.shape_cast %convert_element_type3A_315 : vector<8x4096xi32> to vector<1x8x4096xi32>
          %reduce_sum3A_317 = arith.constant dense<0> : vector<1xi32>
          %reduce_sum3A_318 = vector.multi_reduction <add>, %reduce_sum3A_316, %reduce_sum3A_317 [1, 2] : vector<1x8x4096xi32> to vector<1xi32>
          %reduce_sum3A_319 = vector.shape_cast %reduce_sum3A_318 : vector<1xi32> to vector<1x1x1xi32>
          %reduce_sum3A_320 = vector.extract %reduce_sum3A_319[0, 0, 0] : i32 from vector<1x1x1xi32>
          %ge3A_321 = arith.cmpi sge, %reduce_sum3A_320, %min3A : i32
          %select_n3A_322 = arith.select %ge3A_321, %or3A, %scan3A_309 : i32
          scf.yield %select_n3A_322 : i32
        }
        %scan3A_259 = arith.constant 31 : i32
        %eq3A_260 = vector.broadcast %scan3A_258 : i32 to vector<8x4096xi32>
        %eq3A_261 = arith.cmpi eq, %bitcast_convert_type3A, %eq3A_260 : vector<8x4096xi32>
        %jit3A_262 = arith.constant 0xFF800000 : f32
        %broadcast_in_dim3A_263 = vector.broadcast %jit3A_262 : f32 to vector<8x4096xf32>
        %select_n3A_264 = arith.select %eq3A_261, %get3A_253, %broadcast_in_dim3A_263 : vector<8x4096xi1>, vector<8x4096xf32>
        %reduce_max3A_265 = vector.shape_cast %select_n3A_264 : vector<8x4096xf32> to vector<1x8x4096xf32>
        %reduce_max3A_266 = arith.constant dense<0xFF800000> : vector<1xf32>
        %reduce_max3A_267 = vector.multi_reduction <maximumf>, %reduce_max3A_265, %reduce_max3A_266 [1, 2] : vector<1x8x4096xf32> to vector<1xf32>
        %reduce_max3A_268 = vector.shape_cast %reduce_max3A_267 : vector<1xf32> to vector<1x1x1xf32>
        %reduce_max3A_269 = vector.extract %reduce_max3A_268[0, 0, 0] : f32 from vector<1x1x1xf32>
        %gt3A_270 = vector.broadcast %scan3A_258 : i32 to vector<8x4096xi32>
        %gt3A_271 = arith.cmpi sgt, %bitcast_convert_type3A, %gt3A_270 : vector<8x4096xi32>
        %convert_element_type3A_272 = arith.extui %gt3A_271 : vector<8x4096xi1> to vector<8x4096xi32>
        %reduce_sum3A_273 = vector.shape_cast %convert_element_type3A_272 : vector<8x4096xi32> to vector<1x8x4096xi32>
        %reduce_sum3A_274 = arith.constant dense<0> : vector<1xi32>
        %reduce_sum3A_275 = vector.multi_reduction <add>, %reduce_sum3A_273, %reduce_sum3A_274 [1, 2] : vector<1x8x4096xi32> to vector<1xi32>
        %reduce_sum3A_276 = vector.shape_cast %reduce_sum3A_275 : vector<1xi32> to vector<1x1x1xi32>
        %reduce_sum3A_277 = vector.extract %reduce_sum3A_276[0, 0, 0] : i32 from vector<1x1x1xi32>
        %jit3A_278 = arith.constant 0.000000e+00 : f32
        %broadcast_in_dim3A_279 = vector.broadcast %jit3A_278 : f32 to vector<8x4096xf32>
        %select_n3A_280 = arith.select %gt3A_271, %get3A_253, %broadcast_in_dim3A_279 : vector<8x4096xi1>, vector<8x4096xf32>
        %reduce_sum3A_281 = vector.shape_cast %select_n3A_280 : vector<8x4096xf32> to vector<1x8x4096xf32>
        %reduce_sum3A_282 = arith.constant dense<0.000000e+00> : vector<1xf32>
        %reduce_sum3A_283 = vector.multi_reduction <add>, %reduce_sum3A_281, %reduce_sum3A_282 [1, 2] : vector<1x8x4096xf32> to vector<1xf32>
        %reduce_sum3A_284 = vector.shape_cast %reduce_sum3A_283 : vector<1xf32> to vector<1x1x1xf32>
        %reduce_sum3A_285 = vector.extract %reduce_sum3A_284[0, 0, 0] : f32 from vector<1x1x1xf32>
        %sub3A_286 = arith.subi %min3A, %reduce_sum3A_277 : i32
        %convert_element_type3A_287 = arith.sitofp %sub3A_286 : i32 to f32
        %mul3A_288 = arith.mulf %convert_element_type3A_287, %reduce_max3A_269 : f32
        %add3A_289 = arith.addf %reduce_sum3A_285, %mul3A_288 : f32
        %get3A_290 = arith.constant 1 : index
        %get3A_291 = memref.load %arg15[%get3A_290] : memref<4xf32, #tpu.memory_space<smem>>
        %get3A_292 = arith.constant 2 : index
        %get3A_293 = memref.load %arg15[%get3A_292] : memref<4xf32, #tpu.memory_space<smem>>
        %add3A_294 = arith.addf %get3A_293, %add3A_289 : f32
        %add3A_295 = arith.addf %get3A_291, %add3A_294 : f32
        %swap3A_296 = arith.constant 1 : index
        %swap3A_297 = memref.load %arg15[%swap3A_296] : memref<4xf32, #tpu.memory_space<smem>>
        memref.store %add3A_295, %arg15[%swap3A_296] : memref<4xf32, #tpu.memory_space<smem>>
        %get3A_298 = arith.constant 1 : index
        %get3A_299 = memref.load %arg16[%get3A_298] : memref<2xi32, #tpu.memory_space<smem>>
        %add3A_300 = arith.addi %get3A_299, %get3A_245 : i32
        %swap3A_301 = arith.constant 1 : index
        %swap3A_302 = memref.load %arg16[%swap3A_301] : memref<2xi32, #tpu.memory_space<smem>>
        memref.store %add3A_300, %arg16[%swap3A_301] : memref<2xi32, #tpu.memory_space<smem>>
        %eq3A_303 = arith.constant 31 : i32
        %eq3A_304 = arith.cmpi eq, %arg0, %eq3A_303 : i32
        %convert_element_type3A_305 = arith.extui %eq3A_304 : i1 to i32
        %cond3A_306 = arith.constant 0 : i32
        %cond3A_307 = arith.cmpi ne, %convert_element_type3A_305, %cond3A_306 : i32
        scf.if %cond3A_307 {
          %get3A_308 = arith.constant 1 : index
          %get3A_309 = memref.load %arg16[%get3A_308] : memref<2xi32, #tpu.memory_space<smem>>
          %convert_element_type3A_310 = arith.sitofp %get3A_309 : i32 to f32
          %get3A_311 = arith.constant 0 : index
          %get3A_312 = memref.load %arg15[%get3A_311] : memref<4xf32, #tpu.memory_space<smem>>
          %div3A_313 = arith.divf %get3A_312, %convert_element_type3A_310 : f32
          %broadcast_in_dim3A_314 = vector.broadcast %div3A_313 : f32 to vector<1x1xf32>
          %swap3A_315 = arith.constant 0 : index
          %swap3A_316 = arith.constant 0 : index
          %swap3A_317 = vector.load %arg7[%swap3A_315, %swap3A_316] : memref<1x1xf32, #tpu.memory_space<vmem>>, vector<1x1xf32>
          tpu.vector_store %arg7[%swap3A_315, %swap3A_316], %broadcast_in_dim3A_314 {strides = array<i32>} : memref<1x1xf32, #tpu.memory_space<vmem>>, vector<1x1xf32>,
          %get3A_318 = arith.constant 1 : index
          %get3A_319 = memref.load %arg15[%get3A_318] : memref<4xf32, #tpu.memory_space<smem>>
          %div3A_320 = arith.divf %get3A_319, %convert_element_type3A_310 : f32
          %broadcast_in_dim3A_321 = vector.broadcast %div3A_320 : f32 to vector<1x1xf32>
          %swap3A_322 = arith.constant 0 : index
          %swap3A_323 = arith.constant 0 : index
          %swap3A_324 = vector.load %arg8[%swap3A_322, %swap3A_323] : memref<1x1xf32, #tpu.memory_space<vmem>>, vector<1x1xf32>
          tpu.vector_store %arg8[%swap3A_322, %swap3A_323], %broadcast_in_dim3A_321 {strides = array<i32>} : memref<1x1xf32, #tpu.memory_space<vmem>>, vector<1x1xf32>,
        } else {
        }
      } else {
      }
    } else {
    }
    return
  }
  func.func @transform_0(%arg0: i32, %arg1: i32) -> (i32, i32, i32) {
    %c0_i32 = arith.constant 0 : i32
    %c0_i32_0 = arith.constant 0 : i32
    %c0_i32_1 = arith.constant 0 : i32
    %c0_i32_2 = arith.constant 0 : i32
    return %c0_i32, %c0_i32_0, %c0_i32_1 : i32, i32, i32
  }
  func.func @transform_1(%arg0: i32, %arg1: i32) -> (i32, i32, i32) {
    %c0_i32 = arith.constant 0 : i32
    %c0_i32_0 = arith.constant 0 : i32
    %c0_i32_1 = arith.constant 0 : i32
    return %arg0, %c0_i32, %c0_i32_0 : i32, i32, i32
  }
  func.func @transform_2(%arg0: i32, %arg1: i32) -> (i32, i32, i32, i32) {
    %sub3A = arith.constant 1 : i32
    %sub3A_0 = arith.subi %arg1, %sub3A : i32
    %max3A = arith.constant 0 : i32
    %max3A_1 = arith.maxsi %sub3A_0, %max3A : i32
    %c0_i32 = arith.constant 0 : i32
    %c0_i32_2 = arith.constant 0 : i32
    %c0_i32_3 = arith.constant 0 : i32
    return %arg0, %c0_i32, %max3A_1, %c0_i32_2 : i32, i32, i32, i32
  }
  func.func @transform_3(%arg0: i32, %arg1: i32) -> (i32, i32, i32, i32) {
    %sub3A = arith.constant 1 : i32
    %sub3A_0 = arith.subi %arg1, %sub3A : i32
    %max3A = arith.constant 0 : i32
    %max3A_1 = arith.maxsi %sub3A_0, %max3A : i32
    %c0_i32 = arith.constant 0 : i32
    %c0_i32_2 = arith.constant 0 : i32
    %c0_i32_3 = arith.constant 0 : i32
    return %arg0, %c0_i32, %max3A_1, %c0_i32_2 : i32, i32, i32, i32
  }
  func.func @transform_4(%arg0: i32, %arg1: i32) -> i32 {
    %c0_i32 = arith.constant 0 : i32
    %c0_i32_0 = arith.constant 0 : i32
    return %c0_i32 : i32
  }
  func.func @transform_5(%arg0: i32, %arg1: i32) -> (i32, i32) {
    %c0_i32 = arith.constant 0 : i32
    %c0_i32_0 = arith.constant 0 : i32
    %c0_i32_1 = arith.constant 0 : i32
    return %c0_i32, %c0_i32_0 : i32, i32
  }
  func.func @transform_6(%arg0: i32, %arg1: i32) -> (i32, i32) {
    %c0_i32 = arith.constant 0 : i32
    %c0_i32_0 = arith.constant 0 : i32
    %c0_i32_1 = arith.constant 0 : i32
    return %c0_i32, %c0_i32_0 : i32, i32
  }
}

</mosaic_0001>

<sc_bundles>
// kernel: sparse-core-data-format-call.cloned.1.call-start
scs
called_computation_lowered:
.L_overlay_start_0:
0x0: {  	s2 =	sld [smem:$0x3FD9]  }
0x1: {  	s3 =	sld [smem:$0x3FFE];
	_ =	sdelay $0x1  }
0x2: {  	s1 =	srdreg.scid  }
0x3: {  	s0 =	sand.u32 $0x1, s1  }
0x4: {  	s18 =	sshll.u32 s0, $0xA;
	s2 =	sadd.s32 s3, s2  }
0x5: {  	s2 =	sadd.s32 s2, s18  }
0x6: {  	[smem:$0x3FC3] =	sst s2  }
0x7: {  	_ = 	snop  }
0x8: {  	s2 =	sld [smem:$0x3FC8];
	(tm) =	ssettm $0x1  }
0x9: {  	s19 =	sld [smem:$0x3FFB];
	_ =	sdelay $0x3  }
0xa: {  	_ =	strace s19  }
0xb: {  	s3 =	sld [smem:$0x3FFC];
	_ =	sdelay $0x3  }
0xc: {  	_ =	strace s3  }
0xd: {  	s3 =	sld [smem:$0x3FFD];
	_ =	sdelay $0x3  }
0xe: {  	_ =	strace s3  }
0xf: {  	_ =	strace $0x8FFFFFFF  }
0x10: {  	s20 =	sld [smem:$0x3FDB];
	_ =	sdelay $0x1  }
0x11: {  	s4 =	simm.s32 $_scs_section_size  }
0x12: {  	s5 =	simm.s32 $_size__tile_overlayer_lowered;
	s6 =	simm.s32 $_tile_overlayer_lowered  }
0x13: {  	s23 =	simm.s32 $0x1BFF;
	s22 =	sshll.u32 s6, $0x1;
	s3 =	sadd.s32 s4, s20  }
0x14: {  	s7 =	simm.s32 $0x0;
	s21 =	sshll.u32 s5, $0x1;
	s5 =	sadd.s32 s22, s3  }
0x15: {  	[timem:s7], [sflag:s23] =	dma.local [hbm:s5], s21  }
0x16: {  	_ =	swait.ge [sflag:s23], s21  }
0x17: {  	s4 =	ssub.s32 $0x0, s21;
	[sflag:s23] =	ssyncset.done $0x0  }
0x18: {  	[sflag:s23] =	ssyncadd.s32 s4;
	_ =	sdelay $0x1  }
0x19: {  	s24 =	simm.s32 $0x1B8B  }
0x1a: {  	_ =	swait.ge [sflag:s24], $0x1  }
0x1b: {  	[sflag:s24] =	ssyncset.done $0x0  }
0x1c: {  	s26 =	simm.s32 $0x1B8E;
	s25 =	sld [smem:$0x3FFE];
	[sflag:s24] =	ssyncadd.s32 $0xFFFFFFFF  }
0x1d: {  	s27 =	simm.s32 $execute0_lowered;
	[smem:$0x3FD2] =	sst s26  }
0x1e: {  	s5 =	sshll.u32 s27, $0x1;
	_ =	strace $0x80000046;
	[dreg:$0x1] =	wrdreg $0xFFFFFFFF  }
0x1f: {  	s28 =	simm.s32 $_size_execute0_lowered;
	s3 =	sadd.s32 s3, s5;
	[dreg:$0x0] =	wrdreg $0x0  }
0x20: {  	s5 =	sshll.u32 s28, $0x1;
	[dreg:$0x2] =	wrdreg s3  }
0x21: {  	[dreg:$0x3] =	wrdreg s5  }
0x22: {  	[dreg:$0x4] =	wrdreg $0xC0  }
0x23: {  	_ =	task [dreg:s7], $0x5FFFF  }
0x24: {  	[dreg:$0x1] =	wrdreg $0xFFFFFFFF  }
0x25: {  	[dreg:$0x0] =	wrdreg $0x60  }
0x26: {  	[dreg:$0x2] =	wrdreg s2  }
0x27: {  	[dreg:$0x3] =	wrdreg s25  }
0x28: {  	[dreg:$0x4] =	wrdreg $0x9  }
0x29: {  	_ =	task.clear_ibuf [dreg:s7], $0x5FFFF;
	_ =	strace $0x90000046  }
0x2a: {  	s29 =	simm.s32 $0x9;
	_ =	strace $0x80000048  }
0x2b: {  	_ =	swait.ge [sflag:s29], $0x1  }
0x2c: {  	[sflag:s29] =	ssyncadd.s32 $0xFFFFFFFF  }
0x2d: {  	_ =	strace $0x90000048  }
0x2e: {  	_ =	sfence  }
0x2f: {  	s30 =	sld [smem:$0x0];
	_ =	sdelay $0x2  }
0x30: {  	s31 =	sshll.u32 s1, $0xD;
	s1 =	sshrl.u32 s1, $0x2  }
0x31: {  	s3 =	sand.u32 $0x4000, s31;
	s1 =	sadd.s32 s1, s30  }
0x32: {  	s0 =	sor.u32 s3, s0;
	s1 =	sshll.u32 s1, $0x11  }
0x33: {  	s0 =	sor.u32 s1, s0  }
0x34: {  	s0 =	sadd.s32 $0x8F2B, s0  }
0x35: {  	[sflag:s0] =	ssyncadd.remote.s32 $0x1  }
0x36: {  	_ =	sfence.sel $0xFFFF  }
0x37: {  	[dreg:$0x0] =	wrdreg $0xFFFFFFFF;
	(pc) =	sbr.abs _section_cstart, $3  }
0x38: {  	[dreg:$0x1] =	wrdreg $0xFFFFFFFF  }
0x39: {  	_ =	task.clear_ibuf [dreg:s7], $0x2FFFF;
	_ =	strace $0x9FFFFFFF  }
0x3a: {  	(tm) =	ssettm $0x7FFFFFFF  }
0x3b: {  	_ =	shalt  }
tec
execute0_lowered:
.L_overlay_start_1:
0x0: {  	(tag) =	ssettag $0x1  }
0x1: {  	s0 =	stileid.u32  }
0x2: {  	s1 =	srdreg.scid;
	s7 =	rddreg [dreg:$0x0]  }
0x3: {  	s6 =	rddreg [dreg:$0x1];
	s31 =	simm.s32 $0x2;
	s14 =	simm.s32 $0x0  }
0x4: {  	s10 =	simm.s32 $0x8000;
	s2 =	sshll.u32 s0, $0x7;
	s1 =	sshll.u32 s1, $0xB  }
0x5: {  	s11 =	simm.s32 $0x0;
	s15 =	simm.s32 $0x0;
	s1 =	sor.u32 s2, s1  }
0x6: {  	s13 =	simm.s32 $0x0;
	s2 =	sand.u32 $0x1, s0;
	s1 =	sand.u32 $0xF00, s1  }
0x7: {  	s21 =	simm.s32 $0x0;
	s4 =	ssub.s32 $0x54, s2;
	s3 =	ssub.s32 $0x1000, s1  }
0x8: {  	s6 =	sadd.s32 $0xC00, s6;
	s8 =	sshrl.u32 s4, $0x1;
	s5 =	sand.u32 $0xF00, s3  }
0x9: {  	s4 =	sand.u32 $0x1, s4;
	p0 =	sne.s32 s5, $0x0;
	s5 =	simm.s32 $0x1  }
.Ltmp0:
0xa: {  	s9 =	sshrl.u32 s3, $0xC;
	s5 =	simm.s32 @!p0 $0x0;
	(pc) =	sbr.rel .LBB1_1-.Ltmp0, $4  }
0xb: {  	s3 =	rddreg [dreg:$0x2];
	s8 =	sadd.s32 s4, s8;
	s5 =	sadd.s32 s5, s9  }
0xc: {  	_ =	strace $0x80000047;
	s4 =	simm.s32 $0x1;
	s5 =	smul.u32 s8, s5  }
0xd: {  	s12 =	smov.u32 s2;
	s7 =	sadd.s32 s7, s1;
	[sflag:s4] =	ssyncpa.u1 $0x0  }
0xe: {  	[sflag:s31] =	ssyncpa.u1 $0x0;
	s9 =	simm.s32 $0x800;
	s8 =	sadd.s32 $0x1, s5  }
.LBB1_7:
0xf: {  	s16 =	sadd.s32 $0x2, s12  }
0x10: {  	p1 =	sgt.s32 s16, $0x53  }
0x11: {  	s16 =	smov.u32 @p1 s2;
	p1 =	sne.s32 s13, s8  }
.Ltmp1:
0x12: {  	p0 =	slt.u32 s13, $0x2;
	(pc) =	sbr.rel @!p1 .LBB1_8-.Ltmp1, $4  }
0x13: {  	s14 =	simm.s32 @!p0 $0x2  }
0x14: {  	s17 =	sadd.s32 $0x1, s13;
	s15 =	smov.u32 s12;
	_ =	swait.ge @!p0 [sflag:s14], $0x4000  }
0x15: {  	s11 =	sadd.s32 $0x4000, s11;
	s13 =	smov.u32 s17;
	[sflag:s14] =	ssyncset.done @!p0 $0x0  }
0x16: {  	s12 =	smov.u32 s16;
	[sflag:s14] =	ssyncadd.s32 @!p0 $0xFFFFC000;
	s14 =	smov.u32 s1  }
.LBB1_1:
0x17: {  	p0 =	sge.u32 s13, s5  }
0x18: {  	s31 =	sadd.s32 $0xFFFFFFFF, s13;
	s16 =	sxor.u32 @!p0 $0xFFFFFFFF, s13  }
0x19: {  	s17 =	sshll.u32 @!p0 s12, $0xF;
	s18 =	simm.s32 @!p0 $0x800;
	s16 =	sshll.u32 @!p0 s16, $0xE  }
0x1a: {  	s19 =	simm.s32 @!p0 $0x8000;
	s17 =	sadd.s32 @!p0 s17, s7;
	s16 =	sand.u32 @!p0 $0x4000, s16  }
0x1b: {  	[tilespmem:s16], [sflag:$0x1] =	stream.strided.gather @!p0 [hbm4b:s17+s18], $0x4000, s19, s18, $0x38;
	[tilespmem:$0x10000] =	vst v63  }
0x1c: {  	p0 =	sge.u32 s31, s5  }
.Ltmp2:
0x1d: {  	_ = 	snop;
	(pc) =	sbr.rel @p0 .LBB1_7-.Ltmp2, $1  }
0x1e: {  	_ =	sdelay $0x3  }
0x1f: {  	s16 =	sshll.u32 s11, $0x2;
	_ =	swait.ge [sflag:s4], $0x4000;
	s17 =	sshll.u32 s13, $0xE  }
0x20: {  	p0 =	por $0x0, $0x0;
	s22 =	simm.s32 $0x0;
	s23 =	simm.s32 $0x0  }
0x21: {  	s16 =	sand.u32 $0x10000, s16;
	[sflag:s4] =	ssyncset.done $0x0;
	s19 =	sand.u32 $0x4000, s17  }
0x22: {  	s20 =	sshrl.u32 s16, $0x2;
	[sflag:s4] =	ssyncadd.s32 $0xFFFFC000;
	s17 =	sor.u32 $0x8000, s19  }
0x23: {  	s16 =	sor.u32 $0x40, s20;
	s18 =	sor.u32 $0x8410, s20;
	s20 =	sadd.s32 $0x8400, s20  }
.LBB1_3:
0x24: {  	v1 =	vld [tilespmem:s16+$0xFFFFFFD0]  }
0x25: {  	v2 =	vld [tilespmem:s16+$0x430]  }
0x26: {  	s24 =	sshll.u32 s23, $0xB;
	v4 =	vld [tilespmem:s16+$0xFFFFFFE0]  }
0x27: {  	v7 =	vld [tilespmem:s16+$0xFFFFFFF0];
	v0 =	vmov s24  }
0x28: {  	v8 =	vld [tilespmem:s16+$0x0]  }
0x29: {  	s30 =	sand.u32 $0x300, s21;
	v9 =	vld [tilespmem:s16+$0x10]  }
0x2a: {  	s25 =	sand.u32 $0x80, s21;
	v10 =	vld [tilespmem:s16+$0x20];
	s24 =	sadd.s32 s30, s19  }
0x2b: {  	v11 =	vld [tilespmem:s16+$0x30];
	s24 =	sadd.s32 s25, s24;
	s25 =	simm.s32 $0x1;
	[tilespmem:s18+$0x60] =	vst v2  }
0x2c: {  	s31 =	sshll.u32 s22, $0x2;
	s25 =	simm.s32 @!p0 $0x0;
	[tilespmem:s18+$0xFFFFFC00] =	vst v1;
	v3 =	vld.idx.msk [tilespmem:v0+s24+$0x400 ss:$0x1], $0xffff  }
0x2d: {  	v6 =	vld [tilespmem:s16+$0x3D0];
	s25 =	sshll.u32 s25, $0x9;
	[tilespmem:s18+$0xFFFFFC10] =	vst v4;
	s24 =	sand.u32 $0xFFFFFC00, s31  }
0x2e: {  	v5 =	vld [tilespmem:s16+$0x3E0];
	[tilespmem:s18+$0xFFFFFC20] =	vst v7;
	s24 =	sor.u32 s25, s24  }
0x2f: {  	[tilespmem:s18+$0xFFFFFC30] =	vst v8;
	v4 =	vld [tilespmem:s16+$0x400];
	s24 =	sshrl.u32 s24, $0x2  }
0x30: {  	[tilespmem:s18+$0xFFFFFC40] =	vst v9;
	v1 =	vld [tilespmem:s16+$0x410];
	s24 =	sadd.s32 s24, s20  }
0x31: {  	[tilespmem:s24+$0x0] =	vst v3;
	v3 =	vld [tilespmem:s16+$0x3F0]  }
0x32: {  	s28 =	simm.s32 $0x80;
	s27 =	simm.s32 $0x100;
	[tilespmem:s18+$0xFFFFFC50] =	vst v10;
	v2 =	vld [tilespmem:s16+$0x420]  }
0x33: {  	s26 =	smov.u32 s18;
	s29 =	sand.u32 $0x300, s28;
	v7 =	vld [tilespmem:s16+$0xFFFFFFC0];
	[tilespmem:s18+$0xFFFFFC60] =	vst v11;
	s25 =	sadd.s32 $0x80, s16  }
.LBB1_4:
0x34: {  	p1 =	sne.s32 s27, $0x380;
	v8 =	vld [tilespmem:s25+$0xFFFFFFD0];
	s28 =	sand.u32 $0x80, s28;
	s29 =	sadd.s32 s29, s19;
	[tilespmem:s26+$0x0] =	vst v6  }
0x35: {  	s29 =	sadd.s32 s28, s29;
	v6 =	vld [tilespmem:s25+$0x430];
	[tilespmem:s26+$0x10] =	vst v5;
	s28 =	smov.u32 s27  }
0x36: {  	v5 =	vld.idx.msk [tilespmem:v0+s29+$0x400 ss:$0x1], $0xffff;
	[tilespmem:s26+$0x20] =	vst v3  }
0x37: {  	v3 =	vld [tilespmem:s25+$0xFFFFFFE0];
	[tilespmem:s26+$0x30] =	vst v4  }
0x38: {  	v4 =	vld [tilespmem:s25+$0xFFFFFFF0];
	[tilespmem:s26+$0xFFFFFBF0] =	vst v7  }
0x39: {  	v7 =	vld [tilespmem:s25+$0x0];
	[tilespmem:s26+$0x40] =	vst v1  }
0x3a: {  	v1 =	vld [tilespmem:s25+$0x10];
	[tilespmem:s26+$0x50] =	vst v2;
	s26 =	sadd.s32 $0x800, s26  }
0x3b: {  	s24 =	sadd.s32 $0x800, s24;
	v2 =	vld [tilespmem:s25+$0x20];
	[tilespmem:s26+$0x60] =	vst v6  }
0x3c: {  	v9 =	vld [tilespmem:s25+$0x30];
	[tilespmem:s24+$0x0] =	vst v5  }
0x3d: {  	[tilespmem:s26+$0xFFFFFC00] =	vst v8;
	v6 =	vld [tilespmem:s25+$0x3D0]  }
0x3e: {  	[tilespmem:s26+$0xFFFFFC10] =	vst v3;
	v5 =	vld [tilespmem:s25+$0x3E0]  }
.Ltmp3:
0x3f: {  	[tilespmem:s26+$0xFFFFFC20] =	vst v4;
	v3 =	vld [tilespmem:s25+$0x3F0];
	(pc) =	sbr.rel @p1 .LBB1_4-.Ltmp3, $4  }
0x40: {  	[tilespmem:s26+$0xFFFFFC30] =	vst v7;
	v4 =	vld [tilespmem:s25+$0x400]  }
0x41: {  	[tilespmem:s26+$0xFFFFFC40] =	vst v1;
	v1 =	vld [tilespmem:s25+$0x410]  }
0x42: {  	[tilespmem:s26+$0xFFFFFC50] =	vst v2;
	v2 =	vld [tilespmem:s25+$0x420]  }
0x43: {  	s27 =	sadd.s32 $0x80, s27;
	s29 =	sand.u32 $0x300, s28;
	v7 =	vld [tilespmem:s25+$0xFFFFFFC0];
	[tilespmem:s26+$0xFFFFFC60] =	vst v9;
	s25 =	sadd.s32 $0x80, s25  }
0x44: {  	[tilespmem:s26+$0x0] =	vst v6  }
0x45: {  	[tilespmem:s26+$0x10] =	vst v5  }
0x46: {  	v49 =	vld [tilespmem:s25+$0x430];
	[tilespmem:s26+$0x20] =	vst v3  }
0x47: {  	v50 =	vld [tilespmem:s25+$0xFFFFFFD0];
	[tilespmem:s26+$0x30] =	vst v4  }
0x48: {  	v51 =	vld [tilespmem:s25+$0xFFFFFFE0];
	[tilespmem:s26+$0x40] =	vst v1  }
0x49: {  	v52 =	vld [tilespmem:s25+$0xFFFFFFF0];
	[tilespmem:s26+$0x50] =	vst v2  }
0x4a: {  	s31 =	sadd.s32 $0x800, s26;
	v53 =	vld [tilespmem:s25+$0x0];
	[tilespmem:s26+$0xFFFFFBF0] =	vst v7  }
0x4b: {  	v54 =	vld [tilespmem:s25+$0x10];
	[tilespmem:s31+$0x60] =	vst v49  }
0x4c: {  	v55 =	vld [tilespmem:s25+$0x20];
	[tilespmem:s31+$0xFFFFFC00] =	vst v50  }
0x4d: {  	v56 =	vld [tilespmem:s25+$0x30];
	[tilespmem:s31+$0xFFFFFC10] =	vst v51  }
0x4e: {  	v57 =	vld [tilespmem:s25+$0x3D0];
	[tilespmem:s31+$0xFFFFFC20] =	vst v52  }
0x4f: {  	v58 =	vld [tilespmem:s25+$0x3E0];
	[tilespmem:s31+$0xFFFFFC30] =	vst v53  }
0x50: {  	v59 =	vld [tilespmem:s25+$0x3F0];
	[tilespmem:s31+$0xFFFFFC40] =	vst v54  }
0x51: {  	v60 =	vld [tilespmem:s25+$0x400];
	[tilespmem:s31+$0xFFFFFC50] =	vst v55  }
0x52: {  	v61 =	vld [tilespmem:s25+$0xFFFFFFC0];
	[tilespmem:s31+$0xFFFFFC60] =	vst v56  }
0x53: {  	s27 =	sand.u32 $0x80, s28;
	s30 =	sadd.s32 s29, s19;
	v62 =	vld [tilespmem:s25+$0x410];
	[tilespmem:s31+$0x0] =	vst v57  }
0x54: {  	v63 =	vld [tilespmem:s25+$0x420];
	s23 =	sadd.s32 $0x1, s23;
	s27 =	sadd.s32 s27, s30;
	[tilespmem:s31+$0x10] =	vst v58  }
0x55: {  	p1 =	sne.s32 s23, $0x8;
	v0 =	vld.idx.msk [tilespmem:v0+s27+$0x400 ss:$0x1], $0xffff;
	[tilespmem:s31+$0x20] =	vst v59  }
.Ltmp4:
0x56: {  	[tilespmem:s31+$0x30] =	vst v60;
	(pc) =	sbr.rel @p1 .LBB1_3-.Ltmp4, $4  }
0x57: {  	[tilespmem:s31+$0xFFFFFBF0] =	vst v61  }
0x58: {  	[tilespmem:s31+$0x40] =	vst v62  }
0x59: {  	s24 =	sadd.s32 $0x800, s24;
	s16 =	sadd.s32 $0x800, s16;
	[tilespmem:s31+$0x50] =	vst v63  }
0x5a: {  	s22 =	sadd.s32 $0x80, s22;
	p0 =	por !p0, !p0;
	s18 =	sadd.s32 $0x80, s18;
	[tilespmem:s24+$0x0] =	vst v0  }
.Ltmp5:
0x5b: {  	(pc) =	sbr.rel .LBB1_7-.Ltmp5, $4  }
0x5c: {  	_ = 	snop  }
0x5d: {  	s15 =	sshll.u32 s15, $0xF;
	s14 =	sadd.s32 s6, s14  }
0x5e: {  	s14 =	sadd.s32 s15, s14  }
0x5f: {  	[hbm4b:s14+s9] =	stream.strided.scatter [tilespmem:s17], [sflag:$0x2], $0x4000, s10, s9, $0x38;
	[tilespmem:$0x10000] =	vst v63  }
.LBB1_8:
0x60: {  	_ =	sfence.sel $0x180000  }
0x61: {  	s1 =	simm.s32 $0x1;
	[bflag:$0x0] =	sbarrier.arrive $0xFFFF  }
0x62: {  	s31 =	simm.s32 $0x2;
	[sflag:s1] =	ssyncpa.u1 $0x1  }
0x63: {  	[sflag:s31] =	ssyncpa.u1 $0x1  }
0x64: {  	p0 =	sne.s32 s0, $0x0;
	_ =	strace $0x90000047  }
0x65: {  	s0 =	sadd.s32 @!p0 $0x100000, s3;
	[bflag:$0x2] =	sbarrier.arrive $0xFFFF  }
0x66: {  	[sflag:s0] =	ssyncadd.tile.s32 @!p0 $0x1;
	_ =	shalt  }
.Lfunc_end1:
_tile_overlayer_lowered:
.L_overlay_start_2:
0x67: {  	(tag) =	ssettag $0x2  }
0x68: {  	s0 =	rddreg [dreg:$0x0];
	s2 =	stileid.u32  }
0x69: {  	s1 =	rddreg [dreg:$0x1];
	p0 =	sne.s32 s2, $0x0  }
0x6a: {  	s3 =	rddreg [dreg:$0x2];
	[bflag:$0x3] =	sbarrier.arrive $0xFFFF;
	s2 =	simm.s32 @!p0 $0x1C01  }
0x6b: {  	[timem:s3], [sflag:s2] =	dma.local @!p0 [hbm:s0], s1  }
0x6c: {  	s0 =	simm.s32 @!p0 $0x1  }
0x6d: {  	_ =	swait.ge @!p0 [sflag:s0], s1  }
0x6e: {  	s1 =	ssub.s32 @!p0 $0x0, s1;
	[sflag:s0] =	ssyncset.done @!p0 $0x0  }
0x6f: {  	[sflag:s0] =	ssyncadd.s32 @!p0 s1  }
0x70: {  	[bflag:$0x3] =	sbarrier.arrive $0xFFFF  }
0x71: {  	_ =	shalt  }

</sc_bundles>
